<compile_context>
chip_gen: v7x
topology: tpu7x:2x2x1
jax: 0.10.2.dev20260603
libtpu: 0.0.44.dev20260713+nightly
codegen_flags: <defaults>
</compile_context>

<pallas_src>
import functools

import jax
import jax.numpy as jnp
from jax import lax
from jax.experimental import pallas as pl
from jax.experimental.pallas import tpu as pltpu
from jax.experimental.pallas import tpu_sc as plsc

N_ROWS = 200
D = 128
B_TOTAL = 4096 * 200
NW = 32
BPW = B_TOTAL // NW
CH = 128
KCH = 2
SC_ROWS = KCH * CH
NSC = BPW // SC_ROWS
NCHUNK = B_TOTAL // CH
NBUF = 3


def _proj_body(emb_ref, w_ref, b_ref, out_ref):
    out_ref[...] = (
        jnp.dot(emb_ref[...], w_ref[...].T, preferred_element_type=jnp.float32)
        + b_ref[...]
    )


def _project_table(emb_weight, lin_w, lin_b):
    return pl.pallas_call(
        _proj_body,
        out_shape=jax.ShapeDtypeStruct((N_ROWS, D), jnp.float32),
    )(emb_weight, lin_w, lin_b.reshape(1, D))


_mesh = plsc.VectorSubcoreMesh(core_axis_name="c", subcore_axis_name="s")


@functools.partial(
    pl.kernel,
    mesh=_mesh,
    out_type=jax.ShapeDtypeStruct((B_TOTAL, D), jnp.float32),
    scratch_types=(
        [pltpu.VMEM((KCH, CH), jnp.int32) for _ in range(NBUF)]
        + [pltpu.VMEM((SC_ROWS, D), jnp.float32) for _ in range(NBUF)]
        + [pltpu.VMEM_SHARED((N_ROWS, D), jnp.float32)]
        + [pltpu.SemaphoreType.DMA for _ in range(3 * NBUF)]
    ),
)
def _gather_kernel(table_hbm, idx_hbm, out_hbm,
                   idx0, idx1, idx2, rows0, rows1, rows2, table_v,
                   semg0, semg1, semg2, semw0, semw1, semw2,
                   semi0, semi1, semi2):
    wid = lax.axis_index("c") * 16 + lax.axis_index("s")
    base = wid * BPW
    cbase = wid * (BPW // CH)

    idx = (idx0, idx1, idx2)
    rows = (rows0, rows1, rows2)
    semg = (semg0, semg1, semg2)
    semw = (semw0, semw1, semw2)
    semi = (semi0, semi1, semi2)

    def fire_gather(i, b):
        for k in range(KCH):
            pltpu.async_copy(
                table_v.at[idx[b].at[k]],
                rows[b].at[pl.ds(k * CH, CH)],
                semg[b],
            )

    def drain_gather(b):
        pltpu.make_async_copy(
            out_hbm.at[pl.ds(0, SC_ROWS)], rows[b], semg[b]
        ).wait()

    def fire_write(i, b):
        pltpu.async_copy(
            rows[b], out_hbm.at[pl.ds(base + i * SC_ROWS, SC_ROWS)], semw[b]
        )

    def drain_write(b):
        pltpu.make_async_copy(
            rows[b], out_hbm.at[pl.ds(0, SC_ROWS)], semw[b]
        ).wait()

    def fire_idx(i, b):
        pltpu.async_copy(
            idx_hbm.at[pl.ds(cbase + i * KCH, KCH)], idx[b], semi[b]
        )

    def drain_idx(b):
        pltpu.make_async_copy(
            idx_hbm.at[pl.ds(0, KCH)], idx[b], semi[b]
        ).wait()

    def phase(i, b):
        nb = (b + 1) % NBUF

        @pl.when(i + 1 < NSC)
        def _():
            @pl.when(i >= NBUF - 1)
            def _():
                drain_write(nb)
            drain_idx(nb)
            fire_gather(i + 1, nb)

        drain_gather(b)
        fire_write(i, b)

        @pl.when(i + NBUF < NSC)
        def _():
            fire_idx(i + NBUF, b)

    @pl.when(lax.axis_index("s") == 0)
    def _():
        pltpu.sync_copy(table_hbm, table_v)

    plsc.subcore_barrier()

    pltpu.sync_copy(idx_hbm.at[pl.ds(cbase, KCH)], idx0)
    fire_idx(1, 1)
    fire_idx(2, 2)
    fire_gather(0, 0)

    def body(q, carry):
        phase(3 * q + 0, 0)
        phase(3 * q + 1, 1)
        phase(3 * q + 2, 2)
        return carry

    lax.fori_loop(0, NSC // 3, body, 0)

    for i in range(3 * (NSC // 3), NSC):
        phase(i, i % NBUF)
    drain_write(0)
    drain_write(1)
    drain_write(2)


def kernel(t, emb_weight, lin_w, lin_b):
    proj = _project_table(emb_weight, lin_w, lin_b)
    idx = t.reshape(NCHUNK, CH)
    out = _gather_kernel(proj, idx)
    return out.reshape(t.shape[0], t.shape[1], D)

# --- scband reference (transcript-rebuilt; emitter-appended) ---
"""Pipeline reference for scband-rel-temporal-encoding-91173565760145 (READ-ONLY COPY).

The authoritative reference and input builder live on the scoring server;
editing this copy changes nothing except your own understanding.
"""

import jax, jax.numpy as jnp
import numpy as np
import math

N_INP = 128
N_HID = 128
MAX_LEN = 200
BATCH = 4096
HIST = 200

def _build_emb_table():
    position = jnp.arange(0.0, MAX_LEN)[:, None]
    div_term = jnp.exp(jnp.arange(0, N_INP, 2).astype(jnp.float32) * (-(math.log(10000.0) / N_INP)))
    table = jnp.zeros((MAX_LEN, N_INP), dtype=jnp.float32)
    table = table.at[:, 0::2].set(jnp.sin(position * div_term) / math.sqrt(N_INP))
    table = table.at[:, 1::2].set(jnp.cos(position * div_term) / math.sqrt(N_INP))
    return table

def setup_inputs(seed: int = 0) -> dict:
    key = jax.random.key(seed)
    k1, k2, k3 = jax.random.split(key, 3)
    t = jax.random.randint(k1, (BATCH, HIST), 0, MAX_LEN, dtype=jnp.int32)
    emb_weight = _build_emb_table()
    # nn.Linear(n_inp, n_hid): weight [n_hid, n_inp], bias [n_hid]
    bound = 1.0 / math.sqrt(N_INP)
    lin_w = jax.random.uniform(k2, (N_HID, N_INP), minval=-bound, maxval=bound, dtype=jnp.float32)
    lin_b = jax.random.uniform(k3, (N_HID,), minval=-bound, maxval=bound, dtype=jnp.float32)
    return {"t": t, "emb_weight": emb_weight, "lin_w": lin_w, "lin_b": lin_b}

def reference(t, emb_weight, lin_w, lin_b):
    # emb(t): gather rows of the sinusoidal table
    gathered = jnp.take(emb_weight, t, axis=0)  # [B, L, n_inp]
    # lin(.): x @ W.T + b
    out = jnp.einsum('bld,hd->blh', gathered, lin_w) + lin_b
    return out

if __name__ == "__main__":
    import jax
    _d = setup_inputs()
    print(jax.jit(kernel)(*tuple(_d.values())))

</pallas_src>

<mosaic_0001>
#map = affine_map<(d0, d1) -> (0, 0)>
module attributes {stable_mosaic.version = 14 : i64} {
  func.func @_gather_kernel(%arg0: i32, %arg1: i32, %arg2: memref<200x128xf32, #tpu.memory_space<hbm>>, %arg3: memref<6400x128xi32, #tpu.memory_space<hbm>>, %arg4: memref<819200x128xf32, #tpu.memory_space<hbm>>, %arg5: memref<2x128xi32, #tpu.memory_space<vmem>>, %arg6: memref<2x128xi32, #tpu.memory_space<vmem>>, %arg7: memref<2x128xi32, #tpu.memory_space<vmem>>, %arg8: memref<256x128xf32, #tpu.memory_space<vmem>>, %arg9: memref<256x128xf32, #tpu.memory_space<vmem>>, %arg10: memref<256x128xf32, #tpu.memory_space<vmem>>, %arg11: memref<200x128xf32, #tpu.memory_space<vmem_shared>>, %arg12: memref<!tpu.dma_semaphore, #tpu.memory_space<semaphore_mem>>, %arg13: memref<!tpu.dma_semaphore, #tpu.memory_space<semaphore_mem>>, %arg14: memref<!tpu.dma_semaphore, #tpu.memory_space<semaphore_mem>>, %arg15: memref<!tpu.dma_semaphore, #tpu.memory_space<semaphore_mem>>, %arg16: memref<!tpu.dma_semaphore, #tpu.memory_space<semaphore_mem>>, %arg17: memref<!tpu.dma_semaphore, #tpu.memory_space<semaphore_mem>>, %arg18: memref<!tpu.dma_semaphore, #tpu.memory_space<semaphore_mem>>, %arg19: memref<!tpu.dma_semaphore, #tpu.memory_space<semaphore_mem>>, %arg20: memref<!tpu.dma_semaphore, #tpu.memory_space<semaphore_mem>>) attributes {dimension_semantics = [#tpu.dimension_semantics<core_parallel>, #tpu.dimension_semantics<subcore_parallel>], iteration_bounds = array<i64: 2, 16>, scalar_prefetch = 0 : i64, scratch_operands = 16 : i64, tpu.core_type = #tpu.core_type<sc_vector_subcore>, window_params = [{transform_indices = #map}, {transform_indices = #map}, {transform_indices = #map}]} {
    %mul3A = arith.constant 16 : i32
    %mul3A_0 = arith.muli %arg0, %mul3A : i32
    %add3A = arith.addi %mul3A_0, %arg1 : i32
    %mul3A_1 = arith.constant 25600 : i32
    %mul3A_2 = arith.muli %add3A, %mul3A_1 : i32
    %mul3A_3 = arith.constant 200 : i32
    %mul3A_4 = arith.muli %add3A, %mul3A_3 : i32
    %eq3A = arith.constant 0 : i32
    %eq3A_5 = arith.cmpi eq, %arg1, %eq3A : i32
    %convert_element_type3A = arith.extui %eq3A_5 : i1 to i32
    %cond3A = arith.constant 0 : i32
    %cond3A_6 = arith.cmpi ne, %convert_element_type3A, %cond3A : i32
    scf.if %cond3A_6 {
      "tpu.region"() ({
        %run_scoped3A = tpu.sem_alloc : memref<!tpu.dma_semaphore, #tpu.memory_space<semaphore_mem>>
        tpu.enqueue_dma source(%arg2 : memref<200x128xf32, #tpu.memory_space<hbm>>) target(%arg11 : memref<200x128xf32, #tpu.memory_space<vmem_shared>>) target_semaphore(%run_scoped3A : memref<!tpu.dma_semaphore, #tpu.memory_space<semaphore_mem>>)
        tpu.wait_dma2 semaphore(%run_scoped3A : memref<!tpu.dma_semaphore, #tpu.memory_space<semaphore_mem>>) src(%arg2 : memref<200x128xf32, #tpu.memory_space<hbm>>) dst(%arg11 : memref<200x128xf32, #tpu.memory_space<vmem_shared>>)
        tpu.yield
      }) : () -> ()
    } else {
    }
    %barrier3A = arith.constant 0 : index
    tpu.barrier barrier_id(%barrier3A)
    "tpu.region"() ({
      %run_scoped3A = tpu.sem_alloc : memref<!tpu.dma_semaphore, #tpu.memory_space<semaphore_mem>>
      %dma_start3A_72 = arith.constant 0 : i32
      %dma_start3A_73 = tpu.memref_slice %arg3[%mul3A_4, %dma_start3A_72] : memref<6400x128xi32, #tpu.memory_space<hbm>> -> memref<2x128xi32, #tpu.memory_space<hbm>>
      %dma_start3A_74 = arith.constant 0 : i32
      %dma_start3A_75 = tpu.memref_slice %arg3[%mul3A_4, %dma_start3A_74] : memref<6400x128xi32, #tpu.memory_space<hbm>> -> memref<2x128xi32, #tpu.memory_space<hbm>>
      tpu.enqueue_dma source(%dma_start3A_75 : memref<2x128xi32, #tpu.memory_space<hbm>>) target(%arg5 : memref<2x128xi32, #tpu.memory_space<vmem>>) target_semaphore(%run_scoped3A : memref<!tpu.dma_semaphore, #tpu.memory_space<semaphore_mem>>)
      %dma_wait3A_76 = arith.constant 0 : i32
      %dma_wait3A_77 = tpu.memref_slice %arg3[%mul3A_4, %dma_wait3A_76] : memref<6400x128xi32, #tpu.memory_space<hbm>> -> memref<2x128xi32, #tpu.memory_space<hbm>>
      %dma_wait3A_78 = arith.constant 0 : i32
      %dma_wait3A_79 = tpu.memref_slice %arg3[%mul3A_4, %dma_wait3A_78] : memref<6400x128xi32, #tpu.memory_space<hbm>> -> memref<2x128xi32, #tpu.memory_space<hbm>>
      tpu.wait_dma2 semaphore(%run_scoped3A : memref<!tpu.dma_semaphore, #tpu.memory_space<semaphore_mem>>) src(%dma_wait3A_79 : memref<2x128xi32, #tpu.memory_space<hbm>>) dst(%arg5 : memref<2x128xi32, #tpu.memory_space<vmem>>)
      tpu.yield
    }) : () -> ()
    %add3A_7 = arith.constant 2 : i32
    %add3A_8 = arith.addi %mul3A_4, %add3A_7 : i32
    %dma_start3A = arith.constant 0 : i32
    %dma_start3A_9 = tpu.memref_slice %arg3[%add3A_8, %dma_start3A] : memref<6400x128xi32, #tpu.memory_space<hbm>> -> memref<2x128xi32, #tpu.memory_space<hbm>>
    %dma_start3A_10 = arith.constant 0 : i32
    %dma_start3A_11 = tpu.memref_slice %arg3[%add3A_8, %dma_start3A_10] : memref<6400x128xi32, #tpu.memory_space<hbm>> -> memref<2x128xi32, #tpu.memory_space<hbm>>
    tpu.enqueue_dma source(%dma_start3A_11 : memref<2x128xi32, #tpu.memory_space<hbm>>) target(%arg6 : memref<2x128xi32, #tpu.memory_space<vmem>>) target_semaphore(%arg19 : memref<!tpu.dma_semaphore, #tpu.memory_space<semaphore_mem>>)
    %add3A_12 = arith.constant 4 : i32
    %add3A_13 = arith.addi %mul3A_4, %add3A_12 : i32
    %dma_start3A_14 = arith.constant 0 : i32
    %dma_start3A_15 = tpu.memref_slice %arg3[%add3A_13, %dma_start3A_14] : memref<6400x128xi32, #tpu.memory_space<hbm>> -> memref<2x128xi32, #tpu.memory_space<hbm>>
    %dma_start3A_16 = arith.constant 0 : i32
    %dma_start3A_17 = tpu.memref_slice %arg3[%add3A_13, %dma_start3A_16] : memref<6400x128xi32, #tpu.memory_space<hbm>> -> memref<2x128xi32, #tpu.memory_space<hbm>>
    tpu.enqueue_dma source(%dma_start3A_17 : memref<2x128xi32, #tpu.memory_space<hbm>>) target(%arg7 : memref<2x128xi32, #tpu.memory_space<vmem>>) target_semaphore(%arg20 : memref<!tpu.dma_semaphore, #tpu.memory_space<semaphore_mem>>)
    %dma_start3A_18 = arith.constant 0 : i32
    %dma_start3A_19 = arith.constant 0 : i32
    %dma_start3A_20 = arith.constant 0 : i32
    %dma_start3A_21 = tpu.memref_slice %arg8[%dma_start3A_19, %dma_start3A_20] : memref<256x128xf32, #tpu.memory_space<vmem>> -> memref<128x128xf32, #tpu.memory_space<vmem>>
    %dma_start3A_22 = arith.constant 0 : i32
    %dma_start3A_23 = tpu.memref_slice %arg5[%dma_start3A_18, %dma_start3A_22] : memref<2x128xi32, #tpu.memory_space<vmem>> -> memref<1x128xi32, #tpu.memory_space<vmem>>
    %dma_start3A_24 = tpu.memref_squeeze %dma_start3A_23 : memref<1x128xi32, #tpu.memory_space<vmem>> -> memref<128xi32, #tpu.memory_space<vmem>>
    %dma_start3A_25 = arith.constant 0 : i32
    %dma_start3A_26 = arith.constant 0 : i32
    %dma_start3A_27 = tpu.memref_slice %arg11[%dma_start3A_25, %dma_start3A_26] : memref<200x128xf32, #tpu.memory_space<vmem_shared>> -> memref<200x128xf32, #tpu.memory_space<vmem_shared>>
    tpu.enqueue_indirect_dma source(%dma_start3A_27 : memref<200x128xf32, #tpu.memory_space<vmem_shared>>) target(%dma_start3A_21 : memref<128x128xf32, #tpu.memory_space<vmem>>) offsets(%dma_start3A_24 : memref<128xi32, #tpu.memory_space<vmem>>) semaphore(%arg12 : memref<!tpu.dma_semaphore, #tpu.memory_space<semaphore_mem>>)
    %dma_start3A_28 = arith.constant 1 : i32
    %dma_start3A_29 = arith.constant 128 : i32
    %dma_start3A_30 = arith.constant 0 : i32
    %dma_start3A_31 = tpu.memref_slice %arg8[%dma_start3A_29, %dma_start3A_30] : memref<256x128xf32, #tpu.memory_space<vmem>> -> memref<128x128xf32, #tpu.memory_space<vmem>>
    %dma_start3A_32 = arith.constant 0 : i32
    %dma_start3A_33 = tpu.memref_slice %arg5[%dma_start3A_28, %dma_start3A_32] : memref<2x128xi32, #tpu.memory_space<vmem>> -> memref<1x128xi32, #tpu.memory_space<vmem>>
    %dma_start3A_34 = tpu.memref_squeeze %dma_start3A_33 : memref<1x128xi32, #tpu.memory_space<vmem>> -> memref<128xi32, #tpu.memory_space<vmem>>
    %dma_start3A_35 = arith.constant 0 : i32
    %dma_start3A_36 = arith.constant 0 : i32
    %dma_start3A_37 = tpu.memref_slice %arg11[%dma_start3A_35, %dma_start3A_36] : memref<200x128xf32, #tpu.memory_space<vmem_shared>> -> memref<200x128xf32, #tpu.memory_space<vmem_shared>>
    tpu.enqueue_indirect_dma source(%dma_start3A_37 : memref<200x128xf32, #tpu.memory_space<vmem_shared>>) target(%dma_start3A_31 : memref<128x128xf32, #tpu.memory_space<vmem>>) offsets(%dma_start3A_34 : memref<128xi32, #tpu.memory_space<vmem>>) semaphore(%arg12 : memref<!tpu.dma_semaphore, #tpu.memory_space<semaphore_mem>>)
    %scan3A = arith.constant 0 : i32
    %scan3A_38 = arith.constant 0 : i32
    %scan3A_39 = arith.constant 33 : i32
    %scan3A_40 = arith.addi %scan3A_38, %scan3A_39 : i32
    %scan3A_41 = arith.constant 1 : i32
    scf.for %scan3A_72 = %scan3A_38 to %scan3A_40 step %scan3A_41  : i32 {
      %mul3A_73 = arith.constant 3 : i32
      %mul3A_74 = arith.muli %mul3A_73, %scan3A_72 : i32
      %add3A_75 = arith.constant 0 : i32
      %add3A_76 = arith.addi %mul3A_74, %add3A_75 : i32
      %add3A_77 = arith.constant 1 : i32
      %add3A_78 = arith.addi %add3A_76, %add3A_77 : i32
      %lt3A = arith.constant 100 : i32
      %lt3A_79 = arith.cmpi slt, %add3A_78, %lt3A : i32
      %convert_element_type3A_80 = arith.extui %lt3A_79 : i1 to i32
      %cond3A_81 = arith.constant 0 : i32
      %cond3A_82 = arith.cmpi ne, %convert_element_type3A_80, %cond3A_81 : i32
      scf.if %cond3A_82 {
        %ge3A = arith.constant 2 : i32
        %ge3A_165 = arith.cmpi sge, %add3A_76, %ge3A : i32
        %convert_element_type3A_166 = arith.extui %ge3A_165 : i1 to i32
        %cond3A_167 = arith.constant 0 : i32
        %cond3A_168 = arith.cmpi ne, %convert_element_type3A_166, %cond3A_167 : i32
        scf.if %cond3A_168 {
          %dma_wait3A_197 = arith.constant 0 : i32
          %dma_wait3A_198 = arith.constant 0 : i32
          %dma_wait3A_199 = tpu.memref_slice %arg4[%dma_wait3A_197, %dma_wait3A_198] : memref<819200x128xf32, #tpu.memory_space<hbm>> -> memref<256x128xf32, #tpu.memory_space<hbm>>
          %dma_wait3A_200 = arith.constant 0 : i32
          %dma_wait3A_201 = arith.constant 0 : i32
          %dma_wait3A_202 = tpu.memref_slice %arg4[%dma_wait3A_200, %dma_wait3A_201] : memref<819200x128xf32, #tpu.memory_space<hbm>> -> memref<256x128xf32, #tpu.memory_space<hbm>>
          tpu.wait_dma2 semaphore(%arg16 : memref<!tpu.dma_semaphore, #tpu.memory_space<semaphore_mem>>) src(%arg9 : memref<256x128xf32, #tpu.memory_space<vmem>>) dst(%dma_wait3A_202 : memref<256x128xf32, #tpu.memory_space<hbm>>)
        } else {
        }
        %dma_wait3A_169 = arith.constant 0 : i32
        %dma_wait3A_170 = arith.constant 0 : i32
        %dma_wait3A_171 = tpu.memref_slice %arg3[%dma_wait3A_169, %dma_wait3A_170] : memref<6400x128xi32, #tpu.memory_space<hbm>> -> memref<2x128xi32, #tpu.memory_space<hbm>>
        %dma_wait3A_172 = arith.constant 0 : i32
        %dma_wait3A_173 = arith.constant 0 : i32
        %dma_wait3A_174 = tpu.memref_slice %arg3[%dma_wait3A_172, %dma_wait3A_173] : memref<6400x128xi32, #tpu.memory_space<hbm>> -> memref<2x128xi32, #tpu.memory_space<hbm>>
        tpu.wait_dma2 semaphore(%arg19 : memref<!tpu.dma_semaphore, #tpu.memory_space<semaphore_mem>>) src(%dma_wait3A_174 : memref<2x128xi32, #tpu.memory_space<hbm>>) dst(%arg6 : memref<2x128xi32, #tpu.memory_space<vmem>>)
        %add3A_175 = arith.constant 1 : i32
        %add3A_176 = arith.addi %add3A_76, %add3A_175 : i32
        %dma_start3A_177 = arith.constant 0 : i32
        %dma_start3A_178 = arith.constant 0 : i32
        %dma_start3A_179 = arith.constant 0 : i32
        %dma_start3A_180 = tpu.memref_slice %arg9[%dma_start3A_178, %dma_start3A_179] : memref<256x128xf32, #tpu.memory_space<vmem>> -> memref<128x128xf32, #tpu.memory_space<vmem>>
        %dma_start3A_181 = arith.constant 0 : i32
        %dma_start3A_182 = tpu.memref_slice %arg6[%dma_start3A_177, %dma_start3A_181] : memref<2x128xi32, #tpu.memory_space<vmem>> -> memref<1x128xi32, #tpu.memory_space<vmem>>
        %dma_start3A_183 = tpu.memref_squeeze %dma_start3A_182 : memref<1x128xi32, #tpu.memory_space<vmem>> -> memref<128xi32, #tpu.memory_space<vmem>>
        %dma_start3A_184 = arith.constant 0 : i32
        %dma_start3A_185 = arith.constant 0 : i32
        %dma_start3A_186 = tpu.memref_slice %arg11[%dma_start3A_184, %dma_start3A_185] : memref<200x128xf32, #tpu.memory_space<vmem_shared>> -> memref<200x128xf32, #tpu.memory_space<vmem_shared>>
        tpu.enqueue_indirect_dma source(%dma_start3A_186 : memref<200x128xf32, #tpu.memory_space<vmem_shared>>) target(%dma_start3A_180 : memref<128x128xf32, #tpu.memory_space<vmem>>) offsets(%dma_start3A_183 : memref<128xi32, #tpu.memory_space<vmem>>) semaphore(%arg13 : memref<!tpu.dma_semaphore, #tpu.memory_space<semaphore_mem>>)
        %dma_start3A_187 = arith.constant 1 : i32
        %dma_start3A_188 = arith.constant 128 : i32
        %dma_start3A_189 = arith.constant 0 : i32
        %dma_start3A_190 = tpu.memref_slice %arg9[%dma_start3A_188, %dma_start3A_189] : memref<256x128xf32, #tpu.memory_space<vmem>> -> memref<128x128xf32, #tpu.memory_space<vmem>>
        %dma_start3A_191 = arith.constant 0 : i32
        %dma_start3A_192 = tpu.memref_slice %arg6[%dma_start3A_187, %dma_start3A_191] : memref<2x128xi32, #tpu.memory_space<vmem>> -> memref<1x128xi32, #tpu.memory_space<vmem>>
        %dma_start3A_193 = tpu.memref_squeeze %dma_start3A_192 : memref<1x128xi32, #tpu.memory_space<vmem>> -> memref<128xi32, #tpu.memory_space<vmem>>
        %dma_start3A_194 = arith.constant 0 : i32
        %dma_start3A_195 = arith.constant 0 : i32
        %dma_start3A_196 = tpu.memref_slice %arg11[%dma_start3A_194, %dma_start3A_195] : memref<200x128xf32, #tpu.memory_space<vmem_shared>> -> memref<200x128xf32, #tpu.memory_space<vmem_shared>>
        tpu.enqueue_indirect_dma source(%dma_start3A_196 : memref<200x128xf32, #tpu.memory_space<vmem_shared>>) target(%dma_start3A_190 : memref<128x128xf32, #tpu.memory_space<vmem>>) offsets(%dma_start3A_193 : memref<128xi32, #tpu.memory_space<vmem>>) semaphore(%arg13 : memref<!tpu.dma_semaphore, #tpu.memory_space<semaphore_mem>>)
      } else {
      }
      %dma_wait3A_83 = arith.constant 0 : i32
      %dma_wait3A_84 = arith.constant 0 : i32
      %dma_wait3A_85 = tpu.memref_slice %arg4[%dma_wait3A_83, %dma_wait3A_84] : memref<819200x128xf32, #tpu.memory_space<hbm>> -> memref<256x128xf32, #tpu.memory_space<hbm>>
      %dma_wait3A_86 = arith.constant 0 : i32
      %dma_wait3A_87 = arith.constant 0 : i32
      %dma_wait3A_88 = tpu.memref_slice %arg4[%dma_wait3A_86, %dma_wait3A_87] : memref<819200x128xf32, #tpu.memory_space<hbm>> -> memref<256x128xf32, #tpu.memory_space<hbm>>
      tpu.wait_dma2 semaphore(%arg12 : memref<!tpu.dma_semaphore, #tpu.memory_space<semaphore_mem>>) src(%dma_wait3A_88 : memref<256x128xf32, #tpu.memory_space<hbm>>) dst(%arg8 : memref<256x128xf32, #tpu.memory_space<vmem>>)
      %mul3A_89 = arith.constant 256 : i32
      %mul3A_90 = arith.muli %add3A_76, %mul3A_89 : i32
      %add3A_91 = arith.addi %mul3A_2, %mul3A_90 : i32
      %dma_start3A_92 = arith.constant 0 : i32
      %dma_start3A_93 = tpu.memref_slice %arg4[%add3A_91, %dma_start3A_92] : memref<819200x128xf32, #tpu.memory_space<hbm>> -> memref<256x128xf32, #tpu.memory_space<hbm>>
      %dma_start3A_94 = arith.constant 0 : i32
      %dma_start3A_95 = tpu.memref_slice %arg4[%add3A_91, %dma_start3A_94] : memref<819200x128xf32, #tpu.memory_space<hbm>> -> memref<256x128xf32, #tpu.memory_space<hbm>>
      tpu.enqueue_dma source(%arg8 : memref<256x128xf32, #tpu.memory_space<vmem>>) target(%dma_start3A_95 : memref<256x128xf32, #tpu.memory_space<hbm>>) target_semaphore(%arg15 : memref<!tpu.dma_semaphore, #tpu.memory_space<semaphore_mem>>)
      %add3A_96 = arith.constant 3 : i32
      %add3A_97 = arith.addi %add3A_76, %add3A_96 : i32
      %lt3A_98 = arith.constant 100 : i32
      %lt3A_99 = arith.cmpi slt, %add3A_97, %lt3A_98 : i32
      %convert_element_type3A_100 = arith.extui %lt3A_99 : i1 to i32
      %cond3A_101 = arith.constant 0 : i32
      %cond3A_102 = arith.cmpi ne, %convert_element_type3A_100, %cond3A_101 : i32
      scf.if %cond3A_102 {
        %add3A_165 = arith.constant 3 : i32
        %add3A_166 = arith.addi %add3A_76, %add3A_165 : i32
        %mul3A_167 = arith.constant 2 : i32
        %mul3A_168 = arith.muli %add3A_166, %mul3A_167 : i32
        %add3A_169 = arith.addi %mul3A_4, %mul3A_168 : i32
        %dma_start3A_170 = arith.constant 0 : i32
        %dma_start3A_171 = tpu.memref_slice %arg3[%add3A_169, %dma_start3A_170] : memref<6400x128xi32, #tpu.memory_space<hbm>> -> memref<2x128xi32, #tpu.memory_space<hbm>>
        %dma_start3A_172 = arith.constant 0 : i32
        %dma_start3A_173 = tpu.memref_slice %arg3[%add3A_169, %dma_start3A_172] : memref<6400x128xi32, #tpu.memory_space<hbm>> -> memref<2x128xi32, #tpu.memory_space<hbm>>
        tpu.enqueue_dma source(%dma_start3A_173 : memref<2x128xi32, #tpu.memory_space<hbm>>) target(%arg5 : memref<2x128xi32, #tpu.memory_space<vmem>>) target_semaphore(%arg18 : memref<!tpu.dma_semaphore, #tpu.memory_space<semaphore_mem>>)
      } else {
      }
      %mul3A_103 = arith.constant 3 : i32
      %mul3A_104 = arith.muli %mul3A_103, %scan3A_72 : i32
      %add3A_105 = arith.constant 1 : i32
      %add3A_106 = arith.addi %mul3A_104, %add3A_105 : i32
      %add3A_107 = arith.constant 1 : i32
      %add3A_108 = arith.addi %add3A_106, %add3A_107 : i32
      %lt3A_109 = arith.constant 100 : i32
      %lt3A_110 = arith.cmpi slt, %add3A_108, %lt3A_109 : i32
      %convert_element_type3A_111 = arith.extui %lt3A_110 : i1 to i32
      %cond3A_112 = arith.constant 0 : i32
      %cond3A_113 = arith.cmpi ne, %convert_element_type3A_111, %cond3A_112 : i32
      scf.if %cond3A_113 {
        %ge3A = arith.constant 2 : i32
        %ge3A_165 = arith.cmpi sge, %add3A_106, %ge3A : i32
        %convert_element_type3A_166 = arith.extui %ge3A_165 : i1 to i32
        %cond3A_167 = arith.constant 0 : i32
        %cond3A_168 = arith.cmpi ne, %convert_element_type3A_166, %cond3A_167 : i32
        scf.if %cond3A_168 {
          %dma_wait3A_197 = arith.constant 0 : i32
          %dma_wait3A_198 = arith.constant 0 : i32
          %dma_wait3A_199 = tpu.memref_slice %arg4[%dma_wait3A_197, %dma_wait3A_198] : memref<819200x128xf32, #tpu.memory_space<hbm>> -> memref<256x128xf32, #tpu.memory_space<hbm>>
          %dma_wait3A_200 = arith.constant 0 : i32
          %dma_wait3A_201 = arith.constant 0 : i32
          %dma_wait3A_202 = tpu.memref_slice %arg4[%dma_wait3A_200, %dma_wait3A_201] : memref<819200x128xf32, #tpu.memory_space<hbm>> -> memref<256x128xf32, #tpu.memory_space<hbm>>
          tpu.wait_dma2 semaphore(%arg17 : memref<!tpu.dma_semaphore, #tpu.memory_space<semaphore_mem>>) src(%arg10 : memref<256x128xf32, #tpu.memory_space<vmem>>) dst(%dma_wait3A_202 : memref<256x128xf32, #tpu.memory_space<hbm>>)
        } else {
        }
        %dma_wait3A_169 = arith.constant 0 : i32
        %dma_wait3A_170 = arith.constant 0 : i32
        %dma_wait3A_171 = tpu.memref_slice %arg3[%dma_wait3A_169, %dma_wait3A_170] : memref<6400x128xi32, #tpu.memory_space<hbm>> -> memref<2x128xi32, #tpu.memory_space<hbm>>
        %dma_wait3A_172 = arith.constant 0 : i32
        %dma_wait3A_173 = arith.constant 0 : i32
        %dma_wait3A_174 = tpu.memref_slice %arg3[%dma_wait3A_172, %dma_wait3A_173] : memref<6400x128xi32, #tpu.memory_space<hbm>> -> memref<2x128xi32, #tpu.memory_space<hbm>>
        tpu.wait_dma2 semaphore(%arg20 : memref<!tpu.dma_semaphore, #tpu.memory_space<semaphore_mem>>) src(%dma_wait3A_174 : memref<2x128xi32, #tpu.memory_space<hbm>>) dst(%arg7 : memref<2x128xi32, #tpu.memory_space<vmem>>)
        %add3A_175 = arith.constant 1 : i32
        %add3A_176 = arith.addi %add3A_106, %add3A_175 : i32
        %dma_start3A_177 = arith.constant 0 : i32
        %dma_start3A_178 = arith.constant 0 : i32
        %dma_start3A_179 = arith.constant 0 : i32
        %dma_start3A_180 = tpu.memref_slice %arg10[%dma_start3A_178, %dma_start3A_179] : memref<256x128xf32, #tpu.memory_space<vmem>> -> memref<128x128xf32, #tpu.memory_space<vmem>>
        %dma_start3A_181 = arith.constant 0 : i32
        %dma_start3A_182 = tpu.memref_slice %arg7[%dma_start3A_177, %dma_start3A_181] : memref<2x128xi32, #tpu.memory_space<vmem>> -> memref<1x128xi32, #tpu.memory_space<vmem>>
        %dma_start3A_183 = tpu.memref_squeeze %dma_start3A_182 : memref<1x128xi32, #tpu.memory_space<vmem>> -> memref<128xi32, #tpu.memory_space<vmem>>
        %dma_start3A_184 = arith.constant 0 : i32
        %dma_start3A_185 = arith.constant 0 : i32
        %dma_start3A_186 = tpu.memref_slice %arg11[%dma_start3A_184, %dma_start3A_185] : memref<200x128xf32, #tpu.memory_space<vmem_shared>> -> memref<200x128xf32, #tpu.memory_space<vmem_shared>>
        tpu.enqueue_indirect_dma source(%dma_start3A_186 : memref<200x128xf32, #tpu.memory_space<vmem_shared>>) target(%dma_start3A_180 : memref<128x128xf32, #tpu.memory_space<vmem>>) offsets(%dma_start3A_183 : memref<128xi32, #tpu.memory_space<vmem>>) semaphore(%arg14 : memref<!tpu.dma_semaphore, #tpu.memory_space<semaphore_mem>>)
        %dma_start3A_187 = arith.constant 1 : i32
        %dma_start3A_188 = arith.constant 128 : i32
        %dma_start3A_189 = arith.constant 0 : i32
        %dma_start3A_190 = tpu.memref_slice %arg10[%dma_start3A_188, %dma_start3A_189] : memref<256x128xf32, #tpu.memory_space<vmem>> -> memref<128x128xf32, #tpu.memory_space<vmem>>
        %dma_start3A_191 = arith.constant 0 : i32
        %dma_start3A_192 = tpu.memref_slice %arg7[%dma_start3A_187, %dma_start3A_191] : memref<2x128xi32, #tpu.memory_space<vmem>> -> memref<1x128xi32, #tpu.memory_space<vmem>>
        %dma_start3A_193 = tpu.memref_squeeze %dma_start3A_192 : memref<1x128xi32, #tpu.memory_space<vmem>> -> memref<128xi32, #tpu.memory_space<vmem>>
        %dma_start3A_194 = arith.constant 0 : i32
        %dma_start3A_195 = arith.constant 0 : i32
        %dma_start3A_196 = tpu.memref_slice %arg11[%dma_start3A_194, %dma_start3A_195] : memref<200x128xf32, #tpu.memory_space<vmem_shared>> -> memref<200x128xf32, #tpu.memory_space<vmem_shared>>
        tpu.enqueue_indirect_dma source(%dma_start3A_196 : memref<200x128xf32, #tpu.memory_space<vmem_shared>>) target(%dma_start3A_190 : memref<128x128xf32, #tpu.memory_space<vmem>>) offsets(%dma_start3A_193 : memref<128xi32, #tpu.memory_space<vmem>>) semaphore(%arg14 : memref<!tpu.dma_semaphore, #tpu.memory_space<semaphore_mem>>)
      } else {
      }
      %dma_wait3A_114 = arith.constant 0 : i32
      %dma_wait3A_115 = arith.constant 0 : i32
      %dma_wait3A_116 = tpu.memref_slice %arg4[%dma_wait3A_114, %dma_wait3A_115] : memref<819200x128xf32, #tpu.memory_space<hbm>> -> memref<256x128xf32, #tpu.memory_space<hbm>>
      %dma_wait3A_117 = arith.constant 0 : i32
      %dma_wait3A_118 = arith.constant 0 : i32
      %dma_wait3A_119 = tpu.memref_slice %arg4[%dma_wait3A_117, %dma_wait3A_118] : memref<819200x128xf32, #tpu.memory_space<hbm>> -> memref<256x128xf32, #tpu.memory_space<hbm>>
      tpu.wait_dma2 semaphore(%arg13 : memref<!tpu.dma_semaphore, #tpu.memory_space<semaphore_mem>>) src(%dma_wait3A_119 : memref<256x128xf32, #tpu.memory_space<hbm>>) dst(%arg9 : memref<256x128xf32, #tpu.memory_space<vmem>>)
      %mul3A_120 = arith.constant 256 : i32
      %mul3A_121 = arith.muli %add3A_106, %mul3A_120 : i32
      %add3A_122 = arith.addi %mul3A_2, %mul3A_121 : i32
      %dma_start3A_123 = arith.constant 0 : i32
      %dma_start3A_124 = tpu.memref_slice %arg4[%add3A_122, %dma_start3A_123] : memref<819200x128xf32, #tpu.memory_space<hbm>> -> memref<256x128xf32, #tpu.memory_space<hbm>>
      %dma_start3A_125 = arith.constant 0 : i32
      %dma_start3A_126 = tpu.memref_slice %arg4[%add3A_122, %dma_start3A_125] : memref<819200x128xf32, #tpu.memory_space<hbm>> -> memref<256x128xf32, #tpu.memory_space<hbm>>
      tpu.enqueue_dma source(%arg9 : memref<256x128xf32, #tpu.memory_space<vmem>>) target(%dma_start3A_126 : memref<256x128xf32, #tpu.memory_space<hbm>>) target_semaphore(%arg16 : memref<!tpu.dma_semaphore, #tpu.memory_space<semaphore_mem>>)
      %add3A_127 = arith.constant 3 : i32
      %add3A_128 = arith.addi %add3A_106, %add3A_127 : i32
      %lt3A_129 = arith.constant 100 : i32
      %lt3A_130 = arith.cmpi slt, %add3A_128, %lt3A_129 : i32
      %convert_element_type3A_131 = arith.extui %lt3A_130 : i1 to i32
      %cond3A_132 = arith.constant 0 : i32
      %cond3A_133 = arith.cmpi ne, %convert_element_type3A_131, %cond3A_132 : i32
      scf.if %cond3A_133 {
        %add3A_165 = arith.constant 3 : i32
        %add3A_166 = arith.addi %add3A_106, %add3A_165 : i32
        %mul3A_167 = arith.constant 2 : i32
        %mul3A_168 = arith.muli %add3A_166, %mul3A_167 : i32
        %add3A_169 = arith.addi %mul3A_4, %mul3A_168 : i32
        %dma_start3A_170 = arith.constant 0 : i32
        %dma_start3A_171 = tpu.memref_slice %arg3[%add3A_169, %dma_start3A_170] : memref<6400x128xi32, #tpu.memory_space<hbm>> -> memref<2x128xi32, #tpu.memory_space<hbm>>
        %dma_start3A_172 = arith.constant 0 : i32
        %dma_start3A_173 = tpu.memref_slice %arg3[%add3A_169, %dma_start3A_172] : memref<6400x128xi32, #tpu.memory_space<hbm>> -> memref<2x128xi32, #tpu.memory_space<hbm>>
        tpu.enqueue_dma source(%dma_start3A_173 : memref<2x128xi32, #tpu.memory_space<hbm>>) target(%arg6 : memref<2x128xi32, #tpu.memory_space<vmem>>) target_semaphore(%arg19 : memref<!tpu.dma_semaphore, #tpu.memory_space<semaphore_mem>>)
      } else {
      }
      %mul3A_134 = arith.constant 3 : i32
      %mul3A_135 = arith.muli %mul3A_134, %scan3A_72 : i32
      %add3A_136 = arith.constant 2 : i32
      %add3A_137 = arith.addi %mul3A_135, %add3A_136 : i32
      %add3A_138 = arith.constant 1 : i32
      %add3A_139 = arith.addi %add3A_137, %add3A_138 : i32
      %lt3A_140 = arith.constant 100 : i32
      %lt3A_141 = arith.cmpi slt, %add3A_139, %lt3A_140 : i32
      %convert_element_type3A_142 = arith.extui %lt3A_141 : i1 to i32
      %cond3A_143 = arith.constant 0 : i32
      %cond3A_144 = arith.cmpi ne, %convert_element_type3A_142, %cond3A_143 : i32
      scf.if %cond3A_144 {
        %ge3A = arith.constant 2 : i32
        %ge3A_165 = arith.cmpi sge, %add3A_137, %ge3A : i32
        %convert_element_type3A_166 = arith.extui %ge3A_165 : i1 to i32
        %cond3A_167 = arith.constant 0 : i32
        %cond3A_168 = arith.cmpi ne, %convert_element_type3A_166, %cond3A_167 : i32
        scf.if %cond3A_168 {
          %dma_wait3A_197 = arith.constant 0 : i32
          %dma_wait3A_198 = arith.constant 0 : i32
          %dma_wait3A_199 = tpu.memref_slice %arg4[%dma_wait3A_197, %dma_wait3A_198] : memref<819200x128xf32, #tpu.memory_space<hbm>> -> memref<256x128xf32, #tpu.memory_space<hbm>>
          %dma_wait3A_200 = arith.constant 0 : i32
          %dma_wait3A_201 = arith.constant 0 : i32
          %dma_wait3A_202 = tpu.memref_slice %arg4[%dma_wait3A_200, %dma_wait3A_201] : memref<819200x128xf32, #tpu.memory_space<hbm>> -> memref<256x128xf32, #tpu.memory_space<hbm>>
          tpu.wait_dma2 semaphore(%arg15 : memref<!tpu.dma_semaphore, #tpu.memory_space<semaphore_mem>>) src(%arg8 : memref<256x128xf32, #tpu.memory_space<vmem>>) dst(%dma_wait3A_202 : memref<256x128xf32, #tpu.memory_space<hbm>>)
        } else {
        }
        %dma_wait3A_169 = arith.constant 0 : i32
        %dma_wait3A_170 = arith.constant 0 : i32
        %dma_wait3A_171 = tpu.memref_slice %arg3[%dma_wait3A_169, %dma_wait3A_170] : memref<6400x128xi32, #tpu.memory_space<hbm>> -> memref<2x128xi32, #tpu.memory_space<hbm>>
        %dma_wait3A_172 = arith.constant 0 : i32
        %dma_wait3A_173 = arith.constant 0 : i32
        %dma_wait3A_174 = tpu.memref_slice %arg3[%dma_wait3A_172, %dma_wait3A_173] : memref<6400x128xi32, #tpu.memory_space<hbm>> -> memref<2x128xi32, #tpu.memory_space<hbm>>
        tpu.wait_dma2 semaphore(%arg18 : memref<!tpu.dma_semaphore, #tpu.memory_space<semaphore_mem>>) src(%dma_wait3A_174 : memref<2x128xi32, #tpu.memory_space<hbm>>) dst(%arg5 : memref<2x128xi32, #tpu.memory_space<vmem>>)
        %add3A_175 = arith.constant 1 : i32
        %add3A_176 = arith.addi %add3A_137, %add3A_175 : i32
        %dma_start3A_177 = arith.constant 0 : i32
        %dma_start3A_178 = arith.constant 0 : i32
        %dma_start3A_179 = arith.constant 0 : i32
        %dma_start3A_180 = tpu.memref_slice %arg8[%dma_start3A_178, %dma_start3A_179] : memref<256x128xf32, #tpu.memory_space<vmem>> -> memref<128x128xf32, #tpu.memory_space<vmem>>
        %dma_start3A_181 = arith.constant 0 : i32
        %dma_start3A_182 = tpu.memref_slice %arg5[%dma_start3A_177, %dma_start3A_181] : memref<2x128xi32, #tpu.memory_space<vmem>> -> memref<1x128xi32, #tpu.memory_space<vmem>>
        %dma_start3A_183 = tpu.memref_squeeze %dma_start3A_182 : memref<1x128xi32, #tpu.memory_space<vmem>> -> memref<128xi32, #tpu.memory_space<vmem>>
        %dma_start3A_184 = arith.constant 0 : i32
        %dma_start3A_185 = arith.constant 0 : i32
        %dma_start3A_186 = tpu.memref_slice %arg11[%dma_start3A_184, %dma_start3A_185] : memref<200x128xf32, #tpu.memory_space<vmem_shared>> -> memref<200x128xf32, #tpu.memory_space<vmem_shared>>
        tpu.enqueue_indirect_dma source(%dma_start3A_186 : memref<200x128xf32, #tpu.memory_space<vmem_shared>>) target(%dma_start3A_180 : memref<128x128xf32, #tpu.memory_space<vmem>>) offsets(%dma_start3A_183 : memref<128xi32, #tpu.memory_space<vmem>>) semaphore(%arg12 : memref<!tpu.dma_semaphore, #tpu.memory_space<semaphore_mem>>)
        %dma_start3A_187 = arith.constant 1 : i32
        %dma_start3A_188 = arith.constant 128 : i32
        %dma_start3A_189 = arith.constant 0 : i32
        %dma_start3A_190 = tpu.memref_slice %arg8[%dma_start3A_188, %dma_start3A_189] : memref<256x128xf32, #tpu.memory_space<vmem>> -> memref<128x128xf32, #tpu.memory_space<vmem>>
        %dma_start3A_191 = arith.constant 0 : i32
        %dma_start3A_192 = tpu.memref_slice %arg5[%dma_start3A_187, %dma_start3A_191] : memref<2x128xi32, #tpu.memory_space<vmem>> -> memref<1x128xi32, #tpu.memory_space<vmem>>
        %dma_start3A_193 = tpu.memref_squeeze %dma_start3A_192 : memref<1x128xi32, #tpu.memory_space<vmem>> -> memref<128xi32, #tpu.memory_space<vmem>>
        %dma_start3A_194 = arith.constant 0 : i32
        %dma_start3A_195 = arith.constant 0 : i32
        %dma_start3A_196 = tpu.memref_slice %arg11[%dma_start3A_194, %dma_start3A_195] : memref<200x128xf32, #tpu.memory_space<vmem_shared>> -> memref<200x128xf32, #tpu.memory_space<vmem_shared>>
        tpu.enqueue_indirect_dma source(%dma_start3A_196 : memref<200x128xf32, #tpu.memory_space<vmem_shared>>) target(%dma_start3A_190 : memref<128x128xf32, #tpu.memory_space<vmem>>) offsets(%dma_start3A_193 : memref<128xi32, #tpu.memory_space<vmem>>) semaphore(%arg12 : memref<!tpu.dma_semaphore, #tpu.memory_space<semaphore_mem>>)
      } else {
      }
      %dma_wait3A_145 = arith.constant 0 : i32
      %dma_wait3A_146 = arith.constant 0 : i32
      %dma_wait3A_147 = tpu.memref_slice %arg4[%dma_wait3A_145, %dma_wait3A_146] : memref<819200x128xf32, #tpu.memory_space<hbm>> -> memref<256x128xf32, #tpu.memory_space<hbm>>
      %dma_wait3A_148 = arith.constant 0 : i32
      %dma_wait3A_149 = arith.constant 0 : i32
      %dma_wait3A_150 = tpu.memref_slice %arg4[%dma_wait3A_148, %dma_wait3A_149] : memref<819200x128xf32, #tpu.memory_space<hbm>> -> memref<256x128xf32, #tpu.memory_space<hbm>>
      tpu.wait_dma2 semaphore(%arg14 : memref<!tpu.dma_semaphore, #tpu.memory_space<semaphore_mem>>) src(%dma_wait3A_150 : memref<256x128xf32, #tpu.memory_space<hbm>>) dst(%arg10 : memref<256x128xf32, #tpu.memory_space<vmem>>)
      %mul3A_151 = arith.constant 256 : i32
      %mul3A_152 = arith.muli %add3A_137, %mul3A_151 : i32
      %add3A_153 = arith.addi %mul3A_2, %mul3A_152 : i32
      %dma_start3A_154 = arith.constant 0 : i32
      %dma_start3A_155 = tpu.memref_slice %arg4[%add3A_153, %dma_start3A_154] : memref<819200x128xf32, #tpu.memory_space<hbm>> -> memref<256x128xf32, #tpu.memory_space<hbm>>
      %dma_start3A_156 = arith.constant 0 : i32
      %dma_start3A_157 = tpu.memref_slice %arg4[%add3A_153, %dma_start3A_156] : memref<819200x128xf32, #tpu.memory_space<hbm>> -> memref<256x128xf32, #tpu.memory_space<hbm>>
      tpu.enqueue_dma source(%arg10 : memref<256x128xf32, #tpu.memory_space<vmem>>) target(%dma_start3A_157 : memref<256x128xf32, #tpu.memory_space<hbm>>) target_semaphore(%arg17 : memref<!tpu.dma_semaphore, #tpu.memory_space<semaphore_mem>>)
      %add3A_158 = arith.constant 3 : i32
      %add3A_159 = arith.addi %add3A_137, %add3A_158 : i32
      %lt3A_160 = arith.constant 100 : i32
      %lt3A_161 = arith.cmpi slt, %add3A_159, %lt3A_160 : i32
      %convert_element_type3A_162 = arith.extui %lt3A_161 : i1 to i32
      %cond3A_163 = arith.constant 0 : i32
      %cond3A_164 = arith.cmpi ne, %convert_element_type3A_162, %cond3A_163 : i32
      scf.if %cond3A_164 {
        %add3A_165 = arith.constant 3 : i32
        %add3A_166 = arith.addi %add3A_137, %add3A_165 : i32
        %mul3A_167 = arith.constant 2 : i32
        %mul3A_168 = arith.muli %add3A_166, %mul3A_167 : i32
        %add3A_169 = arith.addi %mul3A_4, %mul3A_168 : i32
        %dma_start3A_170 = arith.constant 0 : i32
        %dma_start3A_171 = tpu.memref_slice %arg3[%add3A_169, %dma_start3A_170] : memref<6400x128xi32, #tpu.memory_space<hbm>> -> memref<2x128xi32, #tpu.memory_space<hbm>>
        %dma_start3A_172 = arith.constant 0 : i32
        %dma_start3A_173 = tpu.memref_slice %arg3[%add3A_169, %dma_start3A_172] : memref<6400x128xi32, #tpu.memory_space<hbm>> -> memref<2x128xi32, #tpu.memory_space<hbm>>
        tpu.enqueue_dma source(%dma_start3A_173 : memref<2x128xi32, #tpu.memory_space<hbm>>) target(%arg7 : memref<2x128xi32, #tpu.memory_space<vmem>>) target_semaphore(%arg20 : memref<!tpu.dma_semaphore, #tpu.memory_space<semaphore_mem>>)
      } else {
      }
    }
    %scan3A_42 = arith.constant 33 : i32
    %dma_wait3A = arith.constant 0 : i32
    %dma_wait3A_43 = arith.constant 0 : i32
    %dma_wait3A_44 = tpu.memref_slice %arg4[%dma_wait3A, %dma_wait3A_43] : memref<819200x128xf32, #tpu.memory_space<hbm>> -> memref<256x128xf32, #tpu.memory_space<hbm>>
    %dma_wait3A_45 = arith.constant 0 : i32
    %dma_wait3A_46 = arith.constant 0 : i32
    %dma_wait3A_47 = tpu.memref_slice %arg4[%dma_wait3A_45, %dma_wait3A_46] : memref<819200x128xf32, #tpu.memory_space<hbm>> -> memref<256x128xf32, #tpu.memory_space<hbm>>
    tpu.wait_dma2 semaphore(%arg12 : memref<!tpu.dma_semaphore, #tpu.memory_space<semaphore_mem>>) src(%dma_wait3A_47 : memref<256x128xf32, #tpu.memory_space<hbm>>) dst(%arg8 : memref<256x128xf32, #tpu.memory_space<vmem>>)
    %add3A_48 = arith.constant 25344 : i32
    %add3A_49 = arith.addi %mul3A_2, %add3A_48 : i32
    %dma_start3A_50 = arith.constant 0 : i32
    %dma_start3A_51 = tpu.memref_slice %arg4[%add3A_49, %dma_start3A_50] : memref<819200x128xf32, #tpu.memory_space<hbm>> -> memref<256x128xf32, #tpu.memory_space<hbm>>
    %dma_start3A_52 = arith.constant 0 : i32
    %dma_start3A_53 = tpu.memref_slice %arg4[%add3A_49, %dma_start3A_52] : memref<819200x128xf32, #tpu.memory_space<hbm>> -> memref<256x128xf32, #tpu.memory_space<hbm>>
    tpu.enqueue_dma source(%arg8 : memref<256x128xf32, #tpu.memory_space<vmem>>) target(%dma_start3A_53 : memref<256x128xf32, #tpu.memory_space<hbm>>) target_semaphore(%arg15 : memref<!tpu.dma_semaphore, #tpu.memory_space<semaphore_mem>>)
    %dma_wait3A_54 = arith.constant 0 : i32
    %dma_wait3A_55 = arith.constant 0 : i32
    %dma_wait3A_56 = tpu.memref_slice %arg4[%dma_wait3A_54, %dma_wait3A_55] : memref<819200x128xf32, #tpu.memory_space<hbm>> -> memref<256x128xf32, #tpu.memory_space<hbm>>
    %dma_wait3A_57 = arith.constant 0 : i32
    %dma_wait3A_58 = arith.constant 0 : i32
    %dma_wait3A_59 = tpu.memref_slice %arg4[%dma_wait3A_57, %dma_wait3A_58] : memref<819200x128xf32, #tpu.memory_space<hbm>> -> memref<256x128xf32, #tpu.memory_space<hbm>>
    tpu.wait_dma2 semaphore(%arg15 : memref<!tpu.dma_semaphore, #tpu.memory_space<semaphore_mem>>) src(%arg8 : memref<256x128xf32, #tpu.memory_space<vmem>>) dst(%dma_wait3A_59 : memref<256x128xf32, #tpu.memory_space<hbm>>)
    %dma_wait3A_60 = arith.constant 0 : i32
    %dma_wait3A_61 = arith.constant 0 : i32
    %dma_wait3A_62 = tpu.memref_slice %arg4[%dma_wait3A_60, %dma_wait3A_61] : memref<819200x128xf32, #tpu.memory_space<hbm>> -> memref<256x128xf32, #tpu.memory_space<hbm>>
    %dma_wait3A_63 = arith.constant 0 : i32
    %dma_wait3A_64 = arith.constant 0 : i32
    %dma_wait3A_65 = tpu.memref_slice %arg4[%dma_wait3A_63, %dma_wait3A_64] : memref<819200x128xf32, #tpu.memory_space<hbm>> -> memref<256x128xf32, #tpu.memory_space<hbm>>
    tpu.wait_dma2 semaphore(%arg16 : memref<!tpu.dma_semaphore, #tpu.memory_space<semaphore_mem>>) src(%arg9 : memref<256x128xf32, #tpu.memory_space<vmem>>) dst(%dma_wait3A_65 : memref<256x128xf32, #tpu.memory_space<hbm>>)
    %dma_wait3A_66 = arith.constant 0 : i32
    %dma_wait3A_67 = arith.constant 0 : i32
    %dma_wait3A_68 = tpu.memref_slice %arg4[%dma_wait3A_66, %dma_wait3A_67] : memref<819200x128xf32, #tpu.memory_space<hbm>> -> memref<256x128xf32, #tpu.memory_space<hbm>>
    %dma_wait3A_69 = arith.constant 0 : i32
    %dma_wait3A_70 = arith.constant 0 : i32
    %dma_wait3A_71 = tpu.memref_slice %arg4[%dma_wait3A_69, %dma_wait3A_70] : memref<819200x128xf32, #tpu.memory_space<hbm>> -> memref<256x128xf32, #tpu.memory_space<hbm>>
    tpu.wait_dma2 semaphore(%arg17 : memref<!tpu.dma_semaphore, #tpu.memory_space<semaphore_mem>>) src(%arg10 : memref<256x128xf32, #tpu.memory_space<vmem>>) dst(%dma_wait3A_71 : memref<256x128xf32, #tpu.memory_space<hbm>>)
    return
  }
}

module attributes {stable_mosaic.version = 14 : i64} {
  func.func @_proj_body(%arg0: memref<200x128xf32, #tpu.memory_space<vmem>>, %arg1: memref<128x128xf32, #tpu.memory_space<vmem>>, %arg2: memref<1x128xf32, #tpu.memory_space<vmem>>, %arg3: memref<200x128xf32, #tpu.memory_space<vmem>>) attributes {dimension_semantics = [], scalar_prefetch = 0 : i64, scratch_operands = 0 : i64, tpu.core_type = #tpu.core_type<tc>} {
    %get3A = arith.constant 0 : index
    %get3A_0 = arith.constant 0 : index
    %get3A_1 = vector.load %arg0[%get3A, %get3A_0] : memref<200x128xf32, #tpu.memory_space<vmem>>, vector<200x128xf32>
    %get3A_2 = arith.constant 0 : index
    %get3A_3 = arith.constant 0 : index
    %get3A_4 = vector.load %arg1[%get3A_2, %get3A_3] : memref<128x128xf32, #tpu.memory_space<vmem>>, vector<128x128xf32>
    %transpose3A = tpu.transpose %get3A_4, [1, 0] : vector<128x128xf32> -> vector<128x128xf32>
    %dot_general3A = arith.constant dense<0.000000e+00> : vector<200x128xf32>
    %dot_general3A_5 = tpu.matmul %get3A_1, %transpose3A, %dot_general3A {dimension_numbers = #tpu.dot_dimension_numbers<[1], [0], [0], [1], [0, 0, 1, 1], [], []>, transpose_lhs_hint = false} : vector<200x128xf32>, vector<128x128xf32>, vector<200x128xf32> -> vector<200x128xf32>
    %get3A_6 = arith.constant 0 : index
    %get3A_7 = arith.constant 0 : index
    %get3A_8 = vector.load %arg2[%get3A_6, %get3A_7] : memref<1x128xf32, #tpu.memory_space<vmem>>, vector<1x128xf32>
    %add3A = vector.broadcast %get3A_8 : vector<1x128xf32> to vector<200x128xf32>
    %add3A_9 = arith.addf %dot_general3A_5, %add3A : vector<200x128xf32>
    %swap3A = arith.constant 0 : index
    %swap3A_10 = arith.constant 0 : index
    %swap3A_11 = vector.load %arg3[%swap3A, %swap3A_10] : memref<200x128xf32, #tpu.memory_space<vmem>>, vector<200x128xf32>
    tpu.vector_store %arg3[%swap3A, %swap3A_10], %add3A_9 {strides = array<i32>} : memref<200x128xf32, #tpu.memory_space<vmem>>, vector<200x128xf32>,
    return
  }
}

</mosaic_0001>

<sc_bundles>
// kernel: kernel.4.cloned.1.call-start
scs
__scs_entry_jumppad:
0x0: {  	(pc) =	sbr.rel $0x88, $3  }
0x1: {  	(tag) =	ssettag $0x0;
	lr =	simm.s32 $0x1  }
0x2: {  	[smem:$0x3F9D] =	sst lr;
	_ =	strace $0xD0000000  }
0x3: {  	_ = 	snop  }
0x4: {  	_ = 	snop  }
0x5: {  	_ = 	snop  }
0x6: {  	_ = 	snop  }
0x7: {  	_ = 	snop  }
__scs_overlays_trampoline_lowered:
0x8: {  	[smem:$0x3FAC] =	sst s0  }
0x9: {  	[smem:$0x3FAD] =	sst s1  }
0xa: {  	[smem:$0x3FAE] =	sst s2  }
0xb: {  	[smem:$0x3FAF] =	sst s3  }
0xc: {  	[smem:$0x3FB0] =	sst s4  }
0xd: {  	[smem:$0x3FB1] =	sst s5  }
0xe: {  	[smem:$0x3FB2] =	sst s6  }
0xf: {  	[smem:$0x3FB3] =	sst s7  }
0x10: {  	[smem:$0x3FB4] =	sst s8  }
0x11: {  	[smem:$0x3FB5] =	sst s9;
	s0 =	simm.s32 @!p0 $0x0  }
0x12: {  	s1 =	sld [smem:$0x3F9B];
	s0 =	simm.s32 @p0 $0x1  }
0x13: {  	[smem:$0x3FB6] =	sst s0;
	s0 =	simm.s32 @!p1 $0x0  }
0x14: {  	s2 =	sld [smem:$0x3F9A];
	s0 =	simm.s32 @p1 $0x1  }
0x15: {  	[smem:$0x3FB7] =	sst s0;
	s0 =	simm.s32 @!p2 $0x0  }
0x16: {  	s3 =	sld [smem:$0x3FDB];
	s0 =	simm.s32 @p2 $0x1  }
0x17: {  	s4 =	simm.s32 $0x1BF5;
	[smem:$0x3FB9] =	sst s0  }
0x18: {  	s0 =	sld [smem:$0x3F9C];
	_ =	swait.ge [sflag:s4], $0x0  }
0x19: {  	s7 =	sld [smem:$0x3F9D]  }
0x1a: {  	s8 =	sadd.s32 $0xFFFFE003, lr  }
0x1b: {  	s9 =	sadd.s32 $0xFFFFFEF7, lr;
	s5 =	simm.s32 $0xFFFFFFFF;
	p2 =	slt.u32 s8, $0xFFFFF086  }
0x1c: {  	p1 =	slt.u32 s9, $0xF7A;
	s5 =	simm.s32 @!p2 $0x0  }
0x1d: {  	s5 =	simm.s32 @p1 $0x1;
	p0 =	seq.s32 s7, s2  }
0x1e: {  	s7 =	smul.u32 @!p0 $0xF7A, s2;
	p2 =	seq.s32 @!p0 s5, $0x0  }
0x1f: {  	s9 =	smul.u32 $0xF7A, s1;
	s8 =	simm.s32 @!p0 $0x1BF5;
	p2 =	por !p2, p0  }
0x20: {  	[sflag:s8] =	ssyncset.s32 @!p0 $0xFFFFF086;
	s6 =	sadd.s32 @!p0 s3, s7;
	s7 =	simm.s32 @!p0 $0x108  }
0x21: {  	s3 =	sadd.s32 s3, s9;
	s6 =	sadd.s32 @!p0 $0x88, s6;
	s7 =	simm.s32 @p2 $0x1082  }
0x22: {  	[simem:s7], [sflag:s8] =	dma.local @!p0 [hbm:s6], $0xF7A  }
0x23: {  	s9 =	sor.u32 $0xD0000000, s2;
	s6 =	simm.s32 $0x108;
	_ =	swait.ge @!p0 [sflag:s8], $0x0  }
0x24: {  	s3 =	sadd.s32 $0x88, s3;
	s6 =	simm.s32 @!p1 $0x1082;
	[sflag:s4] =	ssyncset.s32 $0xFFFFF086  }
0x25: {  	[simem:s6], [sflag:s4] =	dma.local [hbm:s3], $0xF7A  }
0x26: {  	[smem:$0x3F9D] =	sst s1;
	(tag) =	ssettag s2;
	_ =	strace s9  }
0x27: {  	s1 =	sld [smem:$0x3FAD]  }
0x28: {  	s2 =	sld [smem:$0x3FAE]  }
0x29: {  	s4 =	sld [smem:$0x3FB0]  }
0x2a: {  	p0 =	seq.s32 s5, $0x0;
	s5 =	sld [smem:$0x3FB1]  }
0x2b: {  	s6 =	sld [smem:$0x3FB2]  }
0x2c: {  	s7 =	sld [smem:$0x3FB3]  }
0x2d: {  	s3 =	simm.s32 $0x108;
	s8 =	sld [smem:$0x3FB4]  }
0x2e: {  	s3 =	simm.s32 @!p0 $0x1082;
	s9 =	sld [smem:$0x3FB5]  }
0x2f: {  	lr =	sadd.s32 s0, s3;
	s0 =	sld [smem:$0x3FAC]  }
0x30: {  	s3 =	sld [smem:$0x3FAF]  }
0x31: {  	[smem:$0x3FB8] =	sst s10  }
0x32: {  	s10 =	sld [smem:$0x3FB6];
	_ =	sdelay $0x3  }
0x33: {  	p0 =	seq.s32 s10, $0x1;
	s10 =	sld [smem:$0x3FB8];
	_ =	sdelay $0x3  }
0x34: {  	[smem:$0x3FB8] =	sst s10  }
0x35: {  	s10 =	sld [smem:$0x3FB7];
	_ =	sdelay $0x3  }
0x36: {  	p1 =	seq.s32 s10, $0x1;
	s10 =	sld [smem:$0x3FB8];
	_ =	sdelay $0x3  }
0x37: {  	[smem:$0x3FB8] =	sst s10  }
0x38: {  	s10 =	sld [smem:$0x3FB9]  }
0x39: {  	_ = 	snop;
	(pc) =	sbr.ind lr, $3  }
0x3a: {  	_ = 	snop  }
0x3b: {  	_ = 	snop  }
0x3c: {  	p2 =	seq.s32 s10, $0x1;
	s10 =	sld [smem:$0x3FB8]  }
0x3d: {  	_ =	shalt  }
0x3e: {  	_ =	shalt  }
0x3f: {  	_ =	shalt  }
0x40: {  	_ =	shalt  }
0x41: {  	_ =	shalt  }
0x42: {  	_ =	shalt  }
0x43: {  	_ =	shalt  }
0x44: {  	_ =	shalt  }
0x45: {  	_ =	shalt  }
0x46: {  	_ =	shalt  }
0x47: {  	_ =	shalt  }
0x48: {  	_ =	shalt  }
0x49: {  	_ =	shalt  }
0x4a: {  	_ =	shalt  }
0x4b: {  	_ =	shalt  }
0x4c: {  	_ =	shalt  }
0x4d: {  	_ =	shalt  }
0x4e: {  	_ =	shalt  }
0x4f: {  	_ =	shalt  }
0x50: {  	_ =	shalt  }
0x51: {  	_ =	shalt  }
0x52: {  	_ =	shalt  }
0x53: {  	_ =	shalt  }
0x54: {  	_ =	shalt  }
0x55: {  	_ =	shalt  }
0x56: {  	_ =	shalt  }
0x57: {  	_ =	shalt  }
0x58: {  	_ =	shalt  }
0x59: {  	_ =	shalt  }
0x5a: {  	_ =	shalt  }
0x5b: {  	_ =	shalt  }
0x5c: {  	_ =	shalt  }
0x5d: {  	_ =	shalt  }
0x5e: {  	_ =	shalt  }
0x5f: {  	_ =	shalt  }
0x60: {  	_ =	shalt  }
0x61: {  	_ =	shalt  }
0x62: {  	_ =	shalt  }
0x63: {  	_ =	shalt  }
0x64: {  	_ =	shalt  }
0x65: {  	_ =	shalt  }
0x66: {  	_ =	shalt  }
0x67: {  	_ =	shalt  }
0x68: {  	_ =	shalt  }
0x69: {  	_ =	shalt  }
0x6a: {  	_ =	shalt  }
0x6b: {  	_ =	shalt  }
0x6c: {  	_ =	shalt  }
0x6d: {  	_ =	shalt  }
0x6e: {  	_ =	shalt  }
0x6f: {  	_ =	shalt  }
0x70: {  	_ =	shalt  }
0x71: {  	_ =	shalt  }
0x72: {  	_ =	shalt  }
0x73: {  	_ =	shalt  }
0x74: {  	_ =	shalt  }
0x75: {  	_ =	shalt  }
0x76: {  	_ =	shalt  }
0x77: {  	_ =	shalt  }
0x78: {  	_ =	shalt  }
0x79: {  	_ =	shalt  }
0x7a: {  	_ =	shalt  }
0x7b: {  	_ =	shalt  }
0x7c: {  	_ =	shalt  }
0x7d: {  	_ =	shalt  }
0x7e: {  	_ =	shalt  }
0x7f: {  	_ =	shalt  }
0x80: {  	_ =	shalt  }
0x81: {  	_ =	shalt  }
0x82: {  	_ =	shalt  }
0x83: {  	_ =	shalt  }
0x84: {  	_ =	shalt  }
0x85: {  	_ =	shalt  }
0x86: {  	_ =	shalt  }
0x87: {  	_ =	shalt  }
.Lfunc_end0:
.L_simem_size_0:
called_computation_lowered:
.L_overlay_start_0:
0x88: {  	s2 =	sld [smem:$0x3FD9]  }
0x89: {  	s3 =	sld [smem:$0x3FFE];
	_ =	sdelay $0x1  }
0x8a: {  	s1 =	srdreg.scid  }
0x8b: {  	s0 =	sand.u32 $0x1, s1  }
0x8c: {  	s17 =	sshll.u32 s0, $0xA;
	s2 =	sadd.s32 s3, s2  }
0x8d: {  	s2 =	sadd.s32 s2, s17  }
0x8e: {  	[smem:$0x3FC4] =	sst s2  }
0x8f: {  	_ = 	snop  }
0x90: {  	s2 =	sld [smem:$0x3FD0];
	(tm) =	ssettm $0x1  }
0x91: {  	s18 =	sld [smem:$0x3FFB];
	_ =	sdelay $0x3  }
0x92: {  	_ =	strace s18  }
0x93: {  	s3 =	sld [smem:$0x3FFC];
	_ =	sdelay $0x3  }
0x94: {  	_ =	strace s3  }
0x95: {  	s3 =	sld [smem:$0x3FFD];
	_ =	sdelay $0x3  }
0x96: {  	_ =	strace s3  }
0x97: {  	_ =	strace $0x8FFFFFFF  }
0x98: {  	s19 =	sld [smem:$0x3FDB];
	_ =	sdelay $0x1  }
0x99: {  	s4 =	simm.s32 $_scs_section_size  }
0x9a: {  	s5 =	simm.s32 $_size__tile_overlayer_lowered;
	s6 =	simm.s32 $_tile_overlayer_lowered  }
0x9b: {  	s22 =	simm.s32 $0x1BFF;
	s21 =	sshll.u32 s6, $0x1;
	s3 =	sadd.s32 s4, s19  }
0x9c: {  	s7 =	simm.s32 $0x0;
	s20 =	sshll.u32 s5, $0x1;
	s5 =	sadd.s32 s21, s3  }
0x9d: {  	[timem:s7], [sflag:s22] =	dma.local [hbm:s5], s20  }
0x9e: {  	_ =	swait.ge [sflag:s22], s20  }
0x9f: {  	s4 =	ssub.s32 $0x0, s20;
	[sflag:s22] =	ssyncset.done $0x0  }
0xa0: {  	[sflag:s22] =	ssyncadd.s32 s4;
	_ =	sdelay $0x1  }
0xa1: {  	s23 =	simm.s32 $0x1B8B  }
0xa2: {  	_ =	swait.ge [sflag:s23], $0x1  }
0xa3: {  	[sflag:s23] =	ssyncset.done $0x0  }
0xa4: {  	s25 =	simm.s32 $0x1B8E;
	s24 =	sld [smem:$0x3FFE];
	[sflag:s23] =	ssyncadd.s32 $0xFFFFFFFF  }
0xa5: {  	s26 =	simm.s32 $execute0_lowered;
	[smem:$0x3FD2] =	sst s25  }
0xa6: {  	s5 =	sshll.u32 s26, $0x1;
	_ =	strace $0x80000046;
	[dreg:$0x1] =	wrdreg $0xFFFFFFFF  }
0xa7: {  	s28 =	simm.s32 $_size_execute0_lowered;
	s3 =	sadd.s32 s3, s5;
	[dreg:$0x0] =	wrdreg $0x0  }
0xa8: {  	s5 =	sshll.u32 s28, $0x1;
	[dreg:$0x2] =	wrdreg s3  }
0xa9: {  	[dreg:$0x3] =	wrdreg s5  }
0xaa: {  	[dreg:$0x4] =	wrdreg $0xC0  }
0xab: {  	_ =	task [dreg:s7], $0x5FFFF  }
0xac: {  	[dreg:$0x1] =	wrdreg $0xFFFFFFFF  }
0xad: {  	[dreg:$0x0] =	wrdreg $0x60  }
0xae: {  	[dreg:$0x2] =	wrdreg s24  }
0xaf: {  	[dreg:$0x3] =	wrdreg s2  }
0xb0: {  	[dreg:$0x4] =	wrdreg $0x183000  }
0xb1: {  	[dreg:$0x5] =	wrdreg $0x9  }
0xb2: {  	_ =	task.clear_ibuf [dreg:s7], $0x6FFFF;
	_ =	strace $0x90000046  }
0xb3: {  	s29 =	simm.s32 $0x9;
	_ =	strace $0x80000048  }
0xb4: {  	_ =	swait.ge [sflag:s29], $0x1  }
0xb5: {  	[sflag:s29] =	ssyncadd.s32 $0xFFFFFFFF  }
0xb6: {  	_ =	strace $0x90000048  }
0xb7: {  	_ =	sfence  }
0xb8: {  	s30 =	sld [smem:$0x0];
	_ =	sdelay $0x2  }
0xb9: {  	s31 =	sshll.u32 s1, $0xD;
	s1 =	sshrl.u32 s1, $0x2  }
0xba: {  	s3 =	sand.u32 $0x4000, s31;
	s1 =	sadd.s32 s1, s30  }
0xbb: {  	s0 =	sor.u32 s3, s0;
	s1 =	sshll.u32 s1, $0x11  }
0xbc: {  	s0 =	sor.u32 s1, s0  }
0xbd: {  	s0 =	sadd.s32 $0x8F2B, s0  }
0xbe: {  	[sflag:s0] =	ssyncadd.remote.s32 $0x1  }
0xbf: {  	_ =	sfence.sel $0xFFFF  }
0xc0: {  	[dreg:$0x0] =	wrdreg $0xFFFFFFFF;
	(pc) =	sbr.abs _section_cstart, $3  }
0xc1: {  	[dreg:$0x1] =	wrdreg $0xFFFFFFFF  }
0xc2: {  	_ =	task.clear_ibuf [dreg:s7], $0x2FFFF;
	_ =	strace $0x9FFFFFFF  }
0xc3: {  	(tm) =	ssettm $0x7FFFFFFF  }
tec
execute0_lowered:
.L_overlay_start_1:
0x0: {  	(tag) =	ssettag $0x1  }
0x1: {  	s0 =	rddreg [dreg:$0x0];
	s1 =	srdreg.scid  }
0x2: {  	s3 =	rddreg [dreg:$0x1];
	s6 =	stileid.u32  }
0x3: {  	s2 =	simm.s32 $0x0;
	s28 =	simm.s32 $0x10300;
	s29 =	simm.s32 $0x280  }
0x4: {  	s30 =	simm.s32 $0x14300;
	s31 =	simm.s32 $0x2;
	s16 =	smul.u32 $0x6400, s6  }
0x5: {  	s5 =	sand.u32 $0x1, s1;
	s1 =	rddreg [dreg:$0x2];
	s20 =	smul.u32 $0x320000, s6  }
0x6: {  	[smem:$0x7FF] =	sst s2;
	s14 =	sadd.s32 $0x19C00, s0;
	s21 =	smul.u32 $0x64000, s6  }
0x7: {  	p0 =	sne.s32 s6, $0x0;
	s4 =	sshll.u32 s5, $0x4;
	s11 =	smul.u32 $0x64000, s5  }
0x8: {  	_ =	strace $0x80000047;
	s8 =	ssub.s32 $0x2, s5;
	s18 =	smul.u32 $0x3200000, s5  }
0x9: {  	[dreg:$0x4] =	wrdreg s14;
	s5 =	smul.u32 $0x640000, s5;
	s4 =	sor.u32 s6, s4  }
0xa: {  	s10 =	sshrl.u32 s8, $0x1;
	s6 =	simm.s32 $0x3;
	s7 =	smul.u32 $0xC80, s4  }
0xb: {  	s9 =	smul.u32 $0x320000, s4;
	s4 =	sadd.s32 $0xC00, s0;
	s15 =	ssub.s32 s8, s10  }
0xc: {  	s22 =	sadd.s32 s20, s18;
	s10 =	sadd.s32 s16, s11;
	s5 =	sadd.s32 s5, s3  }
0xd: {  	s16 =	simm.s32 $0x100;
	s18 =	simm.s32 $0x80;
	s20 =	simm.s32 $0x4300  }
0xe: {  	s0 =	smax.u32 s15, $0x1;
	s23 =	sor.u32 $0x10000, s22;
	s25 =	sor.u32 $0x8000, s22  }
0xf: {  	s22 =	simm.s32 $0x8300;
	s12 =	sadd.s32 s4, s7;
	s17 =	sshrl.u32 s9, $0x3  }
0x10: {  	[dreg:$0x9] =	wrdreg s0;
	s0 =	sadd.s32 s21, s5;
	s24 =	sshrl.u32 s23, $0x3  }
0x11: {  	s26 =	sshrl.u32 s25, $0x3;
	s21 =	simm.s32 $0x8;
	s23 =	simm.s32 $0x180  }
0x12: {  	s25 =	simm.s32 $0x1;
	s9 =	simm.s32 $0x0;
	[dreg:$0x5] =	wrdreg s12  }
0x13: {  	s19 =	sadd.s32 $0x20, s12;
	s7 =	sadd.s32 s3, s17;
	[dreg:$0xa] =	wrdreg s0  }
0x14: {  	s12 =	sadd.s32 $0x40, s12;
	s0 =	sadd.s32 s24, s3;
	[dreg:$0x6] =	wrdreg s19  }
.Ltmp0:
0x15: {  	s17 =	simm.s32 $0x200;
	[dreg:$0x7] =	wrdreg s12;
	(pc) =	sbr.rel .LBB2_1-.Ltmp0, $4  }
0x16: {  	s24 =	simm.s32 $0xC300;
	s7 =	sadd.s32 $0x63000, s7;
	[dreg:$0xb] =	wrdreg s0  }
0x17: {  	s0 =	sadd.s32 s26, s3;
	s19 =	simm.s32 $0x300;
	[dreg:$0x8] =	wrdreg s7  }
0x18: {  	s26 =	simm.s32 $0x9;
	[dreg:$0xc] =	wrdreg s0;
	s0 =	sshrl.u32 @!p0 s1, $0x3  }
0x19: {  	s3 =	simm.s32 $0x7;
	[dreg:$0xd] =	wrdreg s0;
	s0 =	simm.s32 $0x4  }
.LBB2_4:
0x1a: {  	_ =	swait.ge [sflag:s25], $0x8000  }
0x1b: {  	[sflag:s25] =	ssyncset.done $0x0  }
0x1c: {  	s5 =	rddreg [dreg:$0x8];
	[sflag:s25] =	ssyncadd.s32 $0xFFFF8000  }
0x1d: {  	[hbm4b:s5+s2] =	stream.linear.scatter [tilespmem:s19], [sflag:$0x4], $0x8000, $0x38;
	[tilespmem:$0x18940] =	vst v63  }
0x1e: {  	_ =	swait.ge [sflag:s0], $0x8000  }
0x1f: {  	[sflag:s0] =	ssyncset.done $0x0  }
0x20: {  	s14 =	simm.s32 $0x5;
	[sflag:s0] =	ssyncadd.s32 $0xFFFF8000  }
0x21: {  	_ =	swait.ge [sflag:s14], $0x8000  }
0x22: {  	[sflag:s14] =	ssyncset.done $0x0  }
0x23: {  	s7 =	simm.s32 $0x6;
	[sflag:s14] =	ssyncadd.s32 $0xFFFF8000  }
0x24: {  	_ =	swait.ge [sflag:s7], $0x8000  }
0x25: {  	s9 =	sadd.s32 $0x1, s9;
	s15 =	rddreg [dreg:$0x9]  }
0x26: {  	p1 =	sne.s32 s9, s15  }
.Ltmp1:
0x27: {  	_ = 	snop;
	(pc) =	sbr.rel @!p1 .LBB2_5-.Ltmp1, $3  }
0x28: {  	_ =	sdelay $0x1  }
0x29: {  	[sflag:s7] =	ssyncset.done $0x0  }
0x2a: {  	[sflag:s7] =	ssyncadd.s32 $0xFFFF8000  }
.LBB2_1:
0x2b: {  	s7 =	rddreg [dreg:$0x4]  }
0x2c: {  	s5 =	simm.s32 @!p0 $0x1C0A;
	s8 =	rddreg [dreg:$0xd]  }
0x2d: {  	[spmem:s8], [sflag:s5] =	dma.local @!p0 [hbm:s7], $0xC80  }
0x2e: {  	s5 =	simm.s32 @!p0 $0xA  }
0x2f: {  	_ =	swait.ge @!p0 [sflag:s5], $0xC80  }
0x30: {  	[sflag:s5] =	ssyncset.done @!p0 $0x0  }
0x31: {  	[sflag:s5] =	ssyncadd.s32 @!p0 $0xFFFFF380  }
0x32: {  	[bflag:$0x0] =	sbarrier.arrive $0xFFFF  }
0x33: {  	s13 =	simm.s32 $0xA;
	s12 =	rddreg [dreg:$0x5]  }
0x34: {  	[tilespmem:s2], [sflag:$0xA] =	stream.linear.gather [hbm4b:s12+s2], $0x100, $0x38;
	[tilespmem:$0x18940] =	vst v63  }
0x35: {  	_ =	swait.ge [sflag:s13], $0x100  }
0x36: {  	[sflag:s13] =	ssyncset.done $0x0;
	s14 =	rddreg [dreg:$0x6]  }
0x37: {  	s15 =	rddreg [dreg:$0x7];
	[sflag:s13] =	ssyncadd.s32 $0xFFFFFF00  }
0x38: {  	[tilespmem:s16], [sflag:$0x8] =	stream.linear.gather [hbm4b:s14+s2], $0x100, $0x38;
	[tilespmem:$0x18940] =	vst v63  }
0x39: {  	s12 =	rddreg [dreg:$0xb]  }
0x3a: {  	[tilespmem:s17], [sflag:$0x9] =	stream.linear.gather [hbm4b:s15+s2], $0x100, $0x38;
	[tilespmem:$0x18940] =	vst v63  }
0x3b: {  	s11 =	rddreg [dreg:$0xa]  }
0x3c: {  	[tilespmem:s19], [sflag:$0x1] =	stream.indirect.gather [spmem:s1], $0x80, s2, s18, $0xb8;
	[tilespmem:$0x18940] =	vst v63  }
0x3d: {  	s13 =	rddreg [dreg:$0xc];
	s14 =	simm.s32 $0x0  }
0x3e: {  	[tilespmem:s20], [sflag:$0x1] =	stream.indirect.gather [spmem:s1], $0x80, s18, s18, $0xb8;
	[tilespmem:$0x18940] =	vst v63  }
.LBB2_2:
0x3f: {  	p1 =	seq.s32 s14, $0x0  }
0x40: {  	s5 =	simm.s32 @!p1 $0x5  }
0x41: {  	_ =	swait.ge @!p1 [sflag:s5], $0x8000  }
0x42: {  	[sflag:s5] =	ssyncset.done @!p1 $0x0  }
0x43: {  	[sflag:s5] =	ssyncadd.s32 @!p1 $0xFFFF8000  }
0x44: {  	_ =	swait.ge [sflag:s21], $0x100  }
0x45: {  	[sflag:s21] =	ssyncset.done $0x0  }
0x46: {  	s5 =	sadd.s32 $0x300, s14;
	[sflag:s21] =	ssyncadd.s32 $0xFFFFFF00  }
0x47: {  	[tilespmem:s22], [sflag:$0x2] =	stream.indirect.gather [spmem:s1], $0x80, s16, s18, $0xb8;
	[tilespmem:$0x18940] =	vst v63  }
0x48: {  	s15 =	sadd.s32 s10, s5  }
0x49: {  	[tilespmem:s24], [sflag:$0x2] =	stream.indirect.gather [spmem:s1], $0x80, s23, s18, $0xb8;
	[tilespmem:$0x18940] =	vst v63  }
0x4a: {  	s7 =	sand.u32 $0x300, s5;
	s15 =	sand.u32 $0x1FFC00, s15;
	_ =	swait.ge [sflag:s25], $0x8000  }
0x4b: {  	s7 =	sor.u32 s7, s15;
	[sflag:s25] =	ssyncset.done $0x0  }
0x4c: {  	s7 =	sshrl.u32 s7, $0x3;
	[sflag:s25] =	ssyncadd.s32 $0xFFFF8000  }
0x4d: {  	[hbm4b:s11+s2] =	stream.linear.scatter [tilespmem:s19], [sflag:$0x4], $0x8000, $0x38;
	[tilespmem:$0x18940] =	vst v63  }
0x4e: {  	s7 =	sadd.s32 s4, s7  }
0x4f: {  	[tilespmem:s2], [sflag:$0x7] =	stream.linear.gather [hbm4b:s7+s2], $0x100, $0x38;
	[tilespmem:$0x18940] =	vst v63  }
0x50: {  	s7 =	simm.s32 @!p1 $0x6  }
0x51: {  	_ =	swait.ge @!p1 [sflag:s7], $0x8000  }
0x52: {  	[sflag:s7] =	ssyncset.done @!p1 $0x0  }
0x53: {  	[sflag:s7] =	ssyncadd.s32 @!p1 $0xFFFF8000  }
0x54: {  	_ =	swait.ge [sflag:s26], $0x100  }
0x55: {  	p1 =	seq.s32 s14, $0x6000;
	[sflag:s26] =	ssyncset.done $0x0  }
0x56: {  	s7 =	sadd.s32 @!p1 s14, s10;
	[sflag:s26] =	ssyncadd.s32 $0xFFFFFF00  }
0x57: {  	[tilespmem:s28], [sflag:$0x3] =	stream.indirect.gather [spmem:s1], $0x80, s17, s18, $0xb8;
	[tilespmem:$0x18940] =	vst v63  }
0x58: {  	s7 =	sadd.s32 @!p1 $0x400, s7  }
0x59: {  	[tilespmem:s30], [sflag:$0x3] =	stream.indirect.gather [spmem:s1], $0x80, s29, s18, $0xb8;
	[tilespmem:$0x18940] =	vst v63  }
0x5a: {  	s15 =	sand.u32 @!p1 $0x300, s14;
	s7 =	sand.u32 @!p1 $0x7FFFFC00, s7;
	_ =	swait.ge [sflag:s31], $0x8000  }
0x5b: {  	s7 =	sor.u32 @!p1 s15, s7;
	[sflag:s31] =	ssyncset.done $0x0  }
0x5c: {  	s7 =	sshrl.u32 @!p1 s7, $0x3;
	[sflag:s31] =	ssyncadd.s32 $0xFFFF8000  }
0x5d: {  	[hbm4b:s13+s2] =	stream.linear.scatter [tilespmem:s22], [sflag:$0x5], $0x8000, $0x38;
	[tilespmem:$0x18940] =	vst v63  }
0x5e: {  	s8 =	simm.s32 @!p1 $0x100;
	s15 =	simm.s32 @!p1 $0x0;
	s7 =	sadd.s32 @!p1 s4, s7  }
0x5f: {  	[tilespmem:s8], [sflag:$0x8] =	stream.linear.gather @!p1 [hbm4b:s7+s15], $0x100, $0x38;
	[tilespmem:$0x18940] =	vst v63  }
0x60: {  	_ =	swait.ge [sflag:s0], $0x8000  }
0x61: {  	[sflag:s0] =	ssyncset.done $0x0  }
0x62: {  	[sflag:s0] =	ssyncadd.s32 $0xFFFF8000  }
0x63: {  	_ =	swait.ge [sflag:s3], $0x100  }
0x64: {  	[sflag:s3] =	ssyncset.done $0x0  }
0x65: {  	[sflag:s3] =	ssyncadd.s32 $0xFFFFFF00  }
0x66: {  	[tilespmem:s19], [sflag:$0x1] =	stream.indirect.gather [spmem:s1], $0x80, s2, s18, $0xb8;
	[tilespmem:$0x18940] =	vst v63  }
0x67: {  	_ = 	snop  }
0x68: {  	[tilespmem:s20], [sflag:$0x1] =	stream.indirect.gather [spmem:s1], $0x80, s18, s18, $0xb8;
	[tilespmem:$0x18940] =	vst v63  }
.Ltmp2:
0x69: {  	_ = 	snop;
	(pc) =	sbr.rel @p1 .LBB2_4-.Ltmp2, $4  }
0x6a: {  	_ =	swait.ge [sflag:s6], $0x8000  }
0x6b: {  	[sflag:s6] =	ssyncset.done $0x0  }
0x6c: {  	[sflag:s6] =	ssyncadd.s32 $0xFFFF8000  }
0x6d: {  	[hbm4b:s12+s2] =	stream.linear.scatter [tilespmem:s28], [sflag:$0x6], $0x8000, $0x38;
	[tilespmem:$0x18940] =	vst v63  }
0x6e: {  	s7 =	sadd.s32 $0x500, s14  }
0x6f: {  	s8 =	sadd.s32 s10, s7  }
.Ltmp3:
0x70: {  	s7 =	sand.u32 $0x300, s7;
	s8 =	sand.u32 $0x1FFC00, s8;
	(pc) =	sbr.rel .LBB2_2-.Ltmp3, $4  }
0x71: {  	s7 =	sor.u32 s7, s8  }
0x72: {  	s11 =	sadd.s32 $0x3000, s11;
	s12 =	sadd.s32 $0x3000, s12;
	s7 =	sshrl.u32 s7, $0x3  }
0x73: {  	s13 =	sadd.s32 $0x3000, s13;
	s14 =	smov.u32 s5;
	s7 =	sadd.s32 s4, s7  }
0x74: {  	[tilespmem:s17], [sflag:$0x9] =	stream.linear.gather [hbm4b:s7+s2], $0x100, $0x38;
	[tilespmem:$0x18940] =	vst v63  }
.LBB2_5:
0x75: {  	_ =	sfence.sel $0x180000  }
0x76: {  	[bflag:$0x0] =	sbarrier.arrive $0xFFFF  }
0x77: {  	_ =	strace $0x90000047  }
0x78: {  	[bflag:$0x2] =	sbarrier.arrive $0xFFFF  }
0x79: {  	s0 =	rddreg [dreg:$0x3]  }
0x7a: {  	s0 =	sadd.s32 @!p0 $0x100000, s0  }
0x7b: {  	[sflag:s0] =	ssyncadd.tile.s32 @!p0 $0x1;
	_ =	shalt  }
.Lfunc_end2:
_tile_overlayer_lowered:
.L_overlay_start_2:
0x7c: {  	(tag) =	ssettag $0x2  }
0x7d: {  	s0 =	rddreg [dreg:$0x0];
	s2 =	stileid.u32  }
0x7e: {  	s1 =	rddreg [dreg:$0x1];
	p0 =	sne.s32 s2, $0x0  }
0x7f: {  	s3 =	rddreg [dreg:$0x2];
	[bflag:$0x3] =	sbarrier.arrive $0xFFFF;
	s2 =	simm.s32 @!p0 $0x1C0A  }
0x80: {  	[timem:s3], [sflag:s2] =	dma.local @!p0 [hbm:s0], s1  }
0x81: {  	s0 =	simm.s32 @!p0 $0xA  }
0x82: {  	_ =	swait.ge @!p0 [sflag:s0], s1  }
0x83: {  	s1 =	ssub.s32 @!p0 $0x0, s1;
	[sflag:s0] =	ssyncset.done @!p0 $0x0  }
0x84: {  	[sflag:s0] =	ssyncadd.s32 @!p0 s1  }
0x85: {  	[bflag:$0x3] =	sbarrier.arrive $0xFFFF  }
0x86: {  	_ =	shalt  }

</sc_bundles>
